<compile_context>
chip_gen: v7x
topology: tpu7x:2x2x1
jax: 0.10.2.dev20260603
libtpu: 0.0.44.dev20260713+nightly
codegen_flags: <defaults>
</compile_context>

<pallas_src>
import functools

import jax
import jax.numpy as jnp
from jax import lax
from jax.experimental import pallas as pl
from jax.experimental.pallas import tpu as pltpu
from jax.experimental.pallas import tpu_sc as plsc

L = 16


def _fwd_body(num_states, num_pdfs, num_trans, seq_len,
              x_hbm, packed_hbm, w_hbm, init_hbm, c_hbm,
              packed_v, w_v, alpha_v, new_v, xrow_v, px_v, c_v):
    b = lax.axis_index("s") * 2 + lax.axis_index("c")

    pltpu.sync_copy(packed_hbm, packed_v)
    pltpu.sync_copy(w_hbm, w_v)
    pltpu.sync_copy(init_hbm, alpha_v)

    zeros = jnp.zeros((L,), jnp.float32)

    @pl.loop(0, num_states // L)
    def _(j):
        new_v[pl.ds(j * L, L)] = zeros

    @pl.loop(0, seq_len)
    def _(t):
        pltpu.sync_copy(x_hbm.at[b, t], xrow_v)

        @pl.loop(0, num_pdfs // L)
        def _(j):
            px_v[pl.ds(j * L, L)] = jnp.exp(xrow_v[pl.ds(j * L, L)])

        @pl.loop(0, num_trans // L)
        def _(i):
            base = i * L
            pk = packed_v[pl.ds(base, L)]
            wv = w_v[pl.ds(base, L)]
            s = pk & (num_states - 1)
            d = (pk >> 11) & (num_states - 1)
            p = pk >> 22
            a = plsc.load_gather(alpha_v, [s])
            e = plsc.load_gather(px_v, [p])
            plsc.addupdate_scatter(new_v, [d], a * wv * e)

        acc = lax.fori_loop(
            0, num_states // L,
            lambda j, a: a + new_v[pl.ds(j * L, L)], zeros)
        cvec = jnp.full((L,), jnp.sum(acc), jnp.float32)
        c_v[pl.ds(t * L, L)] = cvec
        rvec = jnp.ones((L,), jnp.float32) / cvec

        @pl.loop(0, num_states // L)
        def _(j):
            v = new_v[pl.ds(j * L, L)]
            alpha_v[pl.ds(j * L, L)] = v * rvec
            new_v[pl.ds(j * L, L)] = zeros

    pltpu.sync_copy(c_v, c_hbm.at[b])


def _logsum_body(c_ref, o_ref):
    o_ref[...] = jnp.sum(jnp.log(c_ref[...])).reshape(1, 1)


def kernel(x, transitions, transition_probs, initial_probs):
    B, T, P = x.shape
    S = initial_probs.shape[0]
    NT = transitions.shape[0]

    src = transitions[:, 0]
    dst = transitions[:, 1]
    pdf = transitions[:, 2]
    packed = (src | (dst << 11) | (pdf << 22)).astype(jnp.int32)

    mesh = plsc.VectorSubcoreMesh(core_axis_name="c", subcore_axis_name="s")
    fwd = pl.kernel(
        functools.partial(_fwd_body, S, P, NT, T),
        out_type=jax.ShapeDtypeStruct((B, T * L), jnp.float32),
        mesh=mesh,
        compiler_params=pltpu.CompilerParams(needs_layout_passes=False),
        scratch_types=[
            pltpu.VMEM((NT,), jnp.int32),
            pltpu.VMEM((NT,), jnp.float32),
            pltpu.VMEM((S,), jnp.float32),
            pltpu.VMEM((S,), jnp.float32),
            pltpu.VMEM((P,), jnp.float32),
            pltpu.VMEM((P,), jnp.float32),
            pltpu.VMEM((T * L,), jnp.float32),
        ],
    )
    c_mat = fwd(x, packed, transition_probs, initial_probs)

    tot = pl.pallas_call(
        _logsum_body,
        out_shape=jax.ShapeDtypeStruct((1, 1), jnp.float32),
    )(c_mat[:, ::L])
    return tot[0, 0] / B

# --- scband reference (transcript-rebuilt; emitter-appended) ---
"""Pipeline reference for scband-chain-loss-56951266345693 (READ-ONLY COPY).

The authoritative reference and input builder live on the scoring server;
editing this copy changes nothing except your own understanding.
"""

import jax, jax.numpy as jnp
import numpy as np

NUM_STATES = 2048
NUM_PDFS = 512
NUM_TRANSITIONS = 32768
B, T = 32, 300


def setup_inputs(seed: int = 0) -> dict:
    key = jax.random.key(seed)
    x = jax.random.normal(key, (B, T, NUM_PDFS), dtype=jnp.float32)
    rng = np.random.RandomState(0)
    src = rng.randint(0, NUM_STATES, NUM_TRANSITIONS)
    dst = rng.randint(0, NUM_STATES, NUM_TRANSITIONS)
    pdf = rng.randint(0, NUM_PDFS, NUM_TRANSITIONS)
    transitions = jnp.asarray(np.stack([src, dst, pdf], axis=1).astype(np.int32))
    raw = rng.rand(NUM_TRANSITIONS).astype(np.float32) + 0.1
    sums = np.zeros(NUM_STATES, dtype=np.float32)
    np.add.at(sums, src, raw)
    probs = raw / sums[src]
    transition_probs = jnp.asarray(probs)
    initial_probs = jnp.full((NUM_STATES,), 1.0 / NUM_STATES, dtype=jnp.float32)
    return {
        "x": x,
        "transitions": transitions,
        "transition_probs": transition_probs,
        "initial_probs": initial_probs,
    }


def reference(x, transitions, transition_probs, initial_probs):
    # ChainLoss.forward: denominator forward pass of LF-MMI.
    # pychain.forward_backward_den computes the total (log) probability of the
    # nnet output sequence under the denominator HMM via the forward algorithm
    # in probability domain with per-frame renormalization (scaling) to avoid
    # underflow; objf accumulates the log of the normalizers.
    src = transitions[:, 0]
    dst = transitions[:, 1]
    pdf = transitions[:, 2]
    num_states = initial_probs.shape[0]

    def seq_objf(x_seq):
        px = jnp.exp(x_seq)  # nnet log-outputs -> pseudo-likelihoods

        def step(carry, px_t):
            alpha, log_tot = carry
            contrib = alpha[src] * transition_probs * px_t[pdf]
            new_alpha = jax.ops.segment_sum(contrib, dst, num_segments=num_states)
            c = jnp.sum(new_alpha)
            alpha_n = new_alpha / c
            return (alpha_n, log_tot + jnp.log(c)), None

        (alpha_T, log_tot), _ = jax.lax.scan(
            step, (initial_probs, jnp.float32(0.0)), px
        )
        return log_tot

    objfs = jax.vmap(seq_objf)(x)
    den_objf = jnp.sum(objfs)
    # avg=True: divide by batch size x.size(0)
    den_objf = den_objf / x.shape[0]
    return den_objf

if __name__ == "__main__":
    import jax
    _d = setup_inputs()
    print(jax.jit(kernel)(*tuple(_d.values())))

</pallas_src>

<mosaic_0001>
#map = affine_map<(d0, d1) -> (0, 0, 0)>
#map1 = affine_map<(d0, d1) -> (0)>
#map2 = affine_map<(d0, d1) -> (0, 0)>
module attributes {stable_mosaic.version = 14 : i64} {
  func.func @_fwd_body(%arg0: i32, %arg1: i32, %arg2: memref<32x300x512xf32, #tpu.memory_space<hbm>>, %arg3: memref<32768xi32, #tpu.memory_space<hbm>>, %arg4: memref<32768xf32, #tpu.memory_space<hbm>>, %arg5: memref<2048xf32, #tpu.memory_space<hbm>>, %arg6: memref<32x4800xf32, #tpu.memory_space<hbm>>, %arg7: memref<32768xi32, #tpu.memory_space<vmem>>, %arg8: memref<32768xf32, #tpu.memory_space<vmem>>, %arg9: memref<2048xf32, #tpu.memory_space<vmem>>, %arg10: memref<2048xf32, #tpu.memory_space<vmem>>, %arg11: memref<512xf32, #tpu.memory_space<vmem>>, %arg12: memref<512xf32, #tpu.memory_space<vmem>>, %arg13: memref<4800xf32, #tpu.memory_space<vmem>>) attributes {dimension_semantics = [#tpu.dimension_semantics<core_parallel>, #tpu.dimension_semantics<subcore_parallel>], iteration_bounds = array<i64: 2, 16>, scalar_prefetch = 0 : i64, scratch_operands = 7 : i64, tpu.core_type = #tpu.core_type<sc_vector_subcore>, window_params = [{transform_indices = #map}, {transform_indices = #map1}, {transform_indices = #map1}, {transform_indices = #map1}, {transform_indices = #map2}]} {
    %mul3A = arith.constant 2 : i32
    %mul3A_0 = arith.muli %arg1, %mul3A : i32
    %add3A = arith.addi %mul3A_0, %arg0 : i32
    "tpu.region"() ({
      %run_scoped3A = tpu.sem_alloc : memref<!tpu.dma_semaphore, #tpu.memory_space<semaphore_mem>>
      tpu.enqueue_dma source(%arg3 : memref<32768xi32, #tpu.memory_space<hbm>>) target(%arg7 : memref<32768xi32, #tpu.memory_space<vmem>>) target_semaphore(%run_scoped3A : memref<!tpu.dma_semaphore, #tpu.memory_space<semaphore_mem>>)
      tpu.wait_dma2 semaphore(%run_scoped3A : memref<!tpu.dma_semaphore, #tpu.memory_space<semaphore_mem>>) src(%arg3 : memref<32768xi32, #tpu.memory_space<hbm>>) dst(%arg7 : memref<32768xi32, #tpu.memory_space<vmem>>)
      tpu.yield
    }) : () -> ()
    "tpu.region"() ({
      %run_scoped3A = tpu.sem_alloc : memref<!tpu.dma_semaphore, #tpu.memory_space<semaphore_mem>>
      tpu.enqueue_dma source(%arg4 : memref<32768xf32, #tpu.memory_space<hbm>>) target(%arg8 : memref<32768xf32, #tpu.memory_space<vmem>>) target_semaphore(%run_scoped3A : memref<!tpu.dma_semaphore, #tpu.memory_space<semaphore_mem>>)
      tpu.wait_dma2 semaphore(%run_scoped3A : memref<!tpu.dma_semaphore, #tpu.memory_space<semaphore_mem>>) src(%arg4 : memref<32768xf32, #tpu.memory_space<hbm>>) dst(%arg8 : memref<32768xf32, #tpu.memory_space<vmem>>)
      tpu.yield
    }) : () -> ()
    "tpu.region"() ({
      %run_scoped3A = tpu.sem_alloc : memref<!tpu.dma_semaphore, #tpu.memory_space<semaphore_mem>>
      tpu.enqueue_dma source(%arg5 : memref<2048xf32, #tpu.memory_space<hbm>>) target(%arg9 : memref<2048xf32, #tpu.memory_space<vmem>>) target_semaphore(%run_scoped3A : memref<!tpu.dma_semaphore, #tpu.memory_space<semaphore_mem>>)
      tpu.wait_dma2 semaphore(%run_scoped3A : memref<!tpu.dma_semaphore, #tpu.memory_space<semaphore_mem>>) src(%arg5 : memref<2048xf32, #tpu.memory_space<hbm>>) dst(%arg9 : memref<2048xf32, #tpu.memory_space<vmem>>)
      tpu.yield
    }) : () -> ()
    %broadcast_in_dim3A = arith.constant 0.000000e+00 : f32
    %broadcast_in_dim3A_1 = vector.broadcast %broadcast_in_dim3A : f32 to vector<16xf32>
    %scan3A = arith.constant 0 : i32
    %scan3A_2 = arith.constant 128 : i32
    %scan3A_3 = arith.addi %scan3A, %scan3A_2 : i32
    %scan3A_4 = arith.constant 1 : i32
    scf.for %scan3A_11 = %scan3A to %scan3A_3 step %scan3A_4  : i32 {
      %mul3A_12 = arith.constant 1 : i32
      %mul3A_13 = arith.muli %scan3A_11, %mul3A_12 : i32
      %add3A_14 = arith.constant 0 : i32
      %add3A_15 = arith.addi %add3A_14, %mul3A_13 : i32
      %mul3A_16 = arith.constant 16 : i32
      %mul3A_17 = arith.muli %add3A_15, %mul3A_16 : i32
      %swap3A = arith.index_cast %mul3A_17 : i32 to index
      %swap3A_18 = tpu.vector_load %arg10[%swap3A] {strides = array<i32>} : memref<2048xf32, #tpu.memory_space<vmem>>, vector<16xf32>,
      tpu.vector_store %arg10[%swap3A], %broadcast_in_dim3A_1 {strides = array<i32>} : memref<2048xf32, #tpu.memory_space<vmem>>, vector<16xf32>,
    }
    %scan3A_5 = arith.constant 128 : i32
    %scan3A_6 = arith.constant 0 : i32
    %scan3A_7 = arith.constant 300 : i32
    %scan3A_8 = arith.addi %scan3A_6, %scan3A_7 : i32
    %scan3A_9 = arith.constant 1 : i32
    scf.for %scan3A_11 = %scan3A_6 to %scan3A_8 step %scan3A_9  : i32 {
      %mul3A_12 = arith.constant 1 : i32
      %mul3A_13 = arith.muli %scan3A_11, %mul3A_12 : i32
      %add3A_14 = arith.constant 0 : i32
      %add3A_15 = arith.addi %add3A_14, %mul3A_13 : i32
      "tpu.region"() ({
        %run_scoped3A = tpu.sem_alloc : memref<!tpu.dma_semaphore, #tpu.memory_space<semaphore_mem>>
        %dma_start3A = arith.constant 0 : i32
        %dma_start3A_46 = tpu.memref_slice %arg2[%add3A, %add3A_15, %dma_start3A] : memref<32x300x512xf32, #tpu.memory_space<hbm>> -> memref<1x1x512xf32, #tpu.memory_space<hbm>>
        %dma_start3A_47 = tpu.memref_squeeze %dma_start3A_46 : memref<1x1x512xf32, #tpu.memory_space<hbm>> -> memref<512xf32, #tpu.memory_space<hbm>>
        %dma_start3A_48 = arith.constant 0 : i32
        %dma_start3A_49 = tpu.memref_slice %arg2[%add3A, %add3A_15, %dma_start3A_48] : memref<32x300x512xf32, #tpu.memory_space<hbm>> -> memref<1x1x512xf32, #tpu.memory_space<hbm>>
        %dma_start3A_50 = tpu.memref_squeeze %dma_start3A_49 : memref<1x1x512xf32, #tpu.memory_space<hbm>> -> memref<512xf32, #tpu.memory_space<hbm>>
        tpu.enqueue_dma source(%dma_start3A_50 : memref<512xf32, #tpu.memory_space<hbm>>) target(%arg11 : memref<512xf32, #tpu.memory_space<vmem>>) target_semaphore(%run_scoped3A : memref<!tpu.dma_semaphore, #tpu.memory_space<semaphore_mem>>)
        %dma_wait3A = arith.constant 0 : i32
        %dma_wait3A_51 = tpu.memref_slice %arg2[%add3A, %add3A_15, %dma_wait3A] : memref<32x300x512xf32, #tpu.memory_space<hbm>> -> memref<1x1x512xf32, #tpu.memory_space<hbm>>
        %dma_wait3A_52 = tpu.memref_squeeze %dma_wait3A_51 : memref<1x1x512xf32, #tpu.memory_space<hbm>> -> memref<512xf32, #tpu.memory_space<hbm>>
        %dma_wait3A_53 = arith.constant 0 : i32
        %dma_wait3A_54 = tpu.memref_slice %arg2[%add3A, %add3A_15, %dma_wait3A_53] : memref<32x300x512xf32, #tpu.memory_space<hbm>> -> memref<1x1x512xf32, #tpu.memory_space<hbm>>
        %dma_wait3A_55 = tpu.memref_squeeze %dma_wait3A_54 : memref<1x1x512xf32, #tpu.memory_space<hbm>> -> memref<512xf32, #tpu.memory_space<hbm>>
        tpu.wait_dma2 semaphore(%run_scoped3A : memref<!tpu.dma_semaphore, #tpu.memory_space<semaphore_mem>>) src(%dma_wait3A_55 : memref<512xf32, #tpu.memory_space<hbm>>) dst(%arg11 : memref<512xf32, #tpu.memory_space<vmem>>)
        tpu.yield
      }) : () -> ()
      %scan3A_16 = arith.constant 0 : i32
      %scan3A_17 = arith.constant 32 : i32
      %scan3A_18 = arith.addi %scan3A_16, %scan3A_17 : i32
      %scan3A_19 = arith.constant 1 : i32
      scf.for %scan3A_46 = %scan3A_16 to %scan3A_18 step %scan3A_19  : i32 {
        %mul3A_47 = arith.constant 1 : i32
        %mul3A_48 = arith.muli %scan3A_46, %mul3A_47 : i32
        %add3A_49 = arith.constant 0 : i32
        %add3A_50 = arith.addi %add3A_49, %mul3A_48 : i32
        %mul3A_51 = arith.constant 16 : i32
        %mul3A_52 = arith.muli %add3A_50, %mul3A_51 : i32
        %get3A = arith.index_cast %mul3A_52 : i32 to index
        %get3A_53 = tpu.vector_load %arg11[%get3A] {strides = array<i32>} : memref<512xf32, #tpu.memory_space<vmem>>, vector<16xf32>,
        %exp3A = math.exp %get3A_53 : vector<16xf32>
        %mul3A_54 = arith.constant 16 : i32
        %mul3A_55 = arith.muli %add3A_50, %mul3A_54 : i32
        %swap3A_56 = arith.index_cast %mul3A_55 : i32 to index
        %swap3A_57 = tpu.vector_load %arg12[%swap3A_56] {strides = array<i32>} : memref<512xf32, #tpu.memory_space<vmem>>, vector<16xf32>,
        tpu.vector_store %arg12[%swap3A_56], %exp3A {strides = array<i32>} : memref<512xf32, #tpu.memory_space<vmem>>, vector<16xf32>,
      }
      %scan3A_20 = arith.constant 32 : i32
      %scan3A_21 = arith.constant 0 : i32
      %scan3A_22 = arith.constant 2048 : i32
      %scan3A_23 = arith.addi %scan3A_21, %scan3A_22 : i32
      %scan3A_24 = arith.constant 1 : i32
      scf.for %scan3A_46 = %scan3A_21 to %scan3A_23 step %scan3A_24  : i32 {
        %mul3A_47 = arith.constant 1 : i32
        %mul3A_48 = arith.muli %scan3A_46, %mul3A_47 : i32
        %add3A_49 = arith.constant 0 : i32
        %add3A_50 = arith.addi %add3A_49, %mul3A_48 : i32
        %mul3A_51 = arith.constant 16 : i32
        %mul3A_52 = arith.muli %add3A_50, %mul3A_51 : i32
        %get3A = arith.index_cast %mul3A_52 : i32 to index
        %get3A_53 = tpu.vector_load %arg7[%get3A] {strides = array<i32>} : memref<32768xi32, #tpu.memory_space<vmem>>, vector<16xi32>,
        %get3A_54 = arith.index_cast %mul3A_52 : i32 to index
        %get3A_55 = tpu.vector_load %arg8[%get3A_54] {strides = array<i32>} : memref<32768xf32, #tpu.memory_space<vmem>>, vector<16xf32>,
        %and3A = arith.constant 2047 : i32
        %and3A_56 = vector.broadcast %and3A : i32 to vector<16xi32>
        %and3A_57 = arith.andi %get3A_53, %and3A_56 : vector<16xi32>
        %shift_right_arithmetic3A = arith.constant 11 : i32
        %shift_right_arithmetic3A_58 = vector.broadcast %shift_right_arithmetic3A : i32 to vector<16xi32>
        %shift_right_arithmetic3A_59 = arith.shrsi %get3A_53, %shift_right_arithmetic3A_58 : vector<16xi32>
        %and3A_60 = arith.constant 2047 : i32
        %and3A_61 = vector.broadcast %and3A_60 : i32 to vector<16xi32>
        %and3A_62 = arith.andi %shift_right_arithmetic3A_59, %and3A_61 : vector<16xi32>
        %shift_right_arithmetic3A_63 = arith.constant 22 : i32
        %shift_right_arithmetic3A_64 = vector.broadcast %shift_right_arithmetic3A_63 : i32 to vector<16xi32>
        %shift_right_arithmetic3A_65 = arith.shrsi %get3A_53, %shift_right_arithmetic3A_64 : vector<16xi32>
        %gather3A = tpu.vector_load_idx %arg9[%and3A_57] : memref<2048xf32, #tpu.memory_space<vmem>>[vector<16xi32>], vector<16xf32>,
        %gather3A_66 = tpu.vector_load_idx %arg12[%shift_right_arithmetic3A_65] : memref<512xf32, #tpu.memory_space<vmem>>[vector<16xi32>], vector<16xf32>,
        %mul3A_67 = arith.mulf %gather3A, %get3A_55 : vector<16xf32>
        %mul3A_68 = arith.mulf %mul3A_67, %gather3A_66 : vector<16xf32>
        tpu.vector_store_idx %arg10[%and3A_62], %mul3A_68 {add = true} : memref<2048xf32, #tpu.memory_space<vmem>>[vector<16xi32>], vector<16xf32>,
      }
      %scan3A_25 = arith.constant 2048 : i32
      %scan3A_26 = arith.constant 0 : i32
      %scan3A_27 = arith.constant 128 : i32
      %scan3A_28 = arith.addi %scan3A_26, %scan3A_27 : i32
      %scan3A_29 = arith.constant 1 : i32
      %scan3A_30 = scf.for %scan3A_46 = %scan3A_26 to %scan3A_28 step %scan3A_29 iter_args(%scan3A_47 = %broadcast_in_dim3A_1) -> (vector<16xf32>)  : i32 {
        %mul3A_48 = arith.constant 16 : i32
        %mul3A_49 = arith.muli %scan3A_46, %mul3A_48 : i32
        %get3A = arith.index_cast %mul3A_49 : i32 to index
        %get3A_50 = tpu.vector_load %arg10[%get3A] {strides = array<i32>} : memref<2048xf32, #tpu.memory_space<vmem>>, vector<16xf32>,
        %add3A_51 = arith.addf %scan3A_47, %get3A_50 : vector<16xf32>
        scf.yield %add3A_51 : vector<16xf32>
      }
      %scan3A_31 = arith.constant 128 : i32
      %reduce_sum3A = arith.constant true
      %reduce_sum3A_32 = vector.broadcast %reduce_sum3A : i1 to vector<16xi1>
      %reduce_sum3A_33 = tpu.scan <sum>, %scan3A_30 masked %reduce_sum3A_32 : vector<16xf32>, vector<16xi1> -> vector<16xf32>
      %reduce_sum3A_34 = vector.extract %reduce_sum3A_33[15] : f32 from vector<16xf32>
      %broadcast_in_dim3A_35 = vector.broadcast %reduce_sum3A_34 : f32 to vector<16xf32>
      %mul3A_36 = arith.constant 16 : i32
      %mul3A_37 = arith.muli %add3A_15, %mul3A_36 : i32
      %swap3A = arith.index_cast %mul3A_37 : i32 to index
      %swap3A_38 = tpu.vector_load %arg13[%swap3A] {strides = array<i32>} : memref<4800xf32, #tpu.memory_space<vmem>>, vector<16xf32>,
      tpu.vector_store %arg13[%swap3A], %broadcast_in_dim3A_35 {strides = array<i32>} : memref<4800xf32, #tpu.memory_space<vmem>>, vector<16xf32>,
      %broadcast_in_dim3A_39 = arith.constant 1.000000e+00 : f32
      %broadcast_in_dim3A_40 = vector.broadcast %broadcast_in_dim3A_39 : f32 to vector<16xf32>
      %div3A = arith.divf %broadcast_in_dim3A_40, %broadcast_in_dim3A_35 : vector<16xf32>
      %scan3A_41 = arith.constant 0 : i32
      %scan3A_42 = arith.constant 128 : i32
      %scan3A_43 = arith.addi %scan3A_41, %scan3A_42 : i32
      %scan3A_44 = arith.constant 1 : i32
      scf.for %scan3A_46 = %scan3A_41 to %scan3A_43 step %scan3A_44  : i32 {
        %mul3A_47 = arith.constant 1 : i32
        %mul3A_48 = arith.muli %scan3A_46, %mul3A_47 : i32
        %add3A_49 = arith.constant 0 : i32
        %add3A_50 = arith.addi %add3A_49, %mul3A_48 : i32
        %mul3A_51 = arith.constant 16 : i32
        %mul3A_52 = arith.muli %add3A_50, %mul3A_51 : i32
        %get3A = arith.index_cast %mul3A_52 : i32 to index
        %get3A_53 = tpu.vector_load %arg10[%get3A] {strides = array<i32>} : memref<2048xf32, #tpu.memory_space<vmem>>, vector<16xf32>,
        %mul3A_54 = arith.mulf %get3A_53, %div3A : vector<16xf32>
        %mul3A_55 = arith.constant 16 : i32
        %mul3A_56 = arith.muli %add3A_50, %mul3A_55 : i32
        %swap3A_57 = arith.index_cast %mul3A_56 : i32 to index
        %swap3A_58 = tpu.vector_load %arg9[%swap3A_57] {strides = array<i32>} : memref<2048xf32, #tpu.memory_space<vmem>>, vector<16xf32>,
        tpu.vector_store %arg9[%swap3A_57], %mul3A_54 {strides = array<i32>} : memref<2048xf32, #tpu.memory_space<vmem>>, vector<16xf32>,
        %mul3A_59 = arith.constant 16 : i32
        %mul3A_60 = arith.muli %add3A_50, %mul3A_59 : i32
        %swap3A_61 = arith.index_cast %mul3A_60 : i32 to index
        %swap3A_62 = tpu.vector_load %arg10[%swap3A_61] {strides = array<i32>} : memref<2048xf32, #tpu.memory_space<vmem>>, vector<16xf32>,
        tpu.vector_store %arg10[%swap3A_61], %broadcast_in_dim3A_1 {strides = array<i32>} : memref<2048xf32, #tpu.memory_space<vmem>>, vector<16xf32>,
      }
      %scan3A_45 = arith.constant 128 : i32
    }
    %scan3A_10 = arith.constant 300 : i32
    "tpu.region"() ({
      %run_scoped3A = tpu.sem_alloc : memref<!tpu.dma_semaphore, #tpu.memory_space<semaphore_mem>>
      %dma_start3A = arith.constant 0 : i32
      %dma_start3A_11 = tpu.memref_slice %arg6[%add3A, %dma_start3A] : memref<32x4800xf32, #tpu.memory_space<hbm>> -> memref<1x4800xf32, #tpu.memory_space<hbm>>
      %dma_start3A_12 = tpu.memref_squeeze %dma_start3A_11 : memref<1x4800xf32, #tpu.memory_space<hbm>> -> memref<4800xf32, #tpu.memory_space<hbm>>
      %dma_start3A_13 = arith.constant 0 : i32
      %dma_start3A_14 = tpu.memref_slice %arg6[%add3A, %dma_start3A_13] : memref<32x4800xf32, #tpu.memory_space<hbm>> -> memref<1x4800xf32, #tpu.memory_space<hbm>>
      %dma_start3A_15 = tpu.memref_squeeze %dma_start3A_14 : memref<1x4800xf32, #tpu.memory_space<hbm>> -> memref<4800xf32, #tpu.memory_space<hbm>>
      tpu.enqueue_dma source(%arg13 : memref<4800xf32, #tpu.memory_space<vmem>>) target(%dma_start3A_15 : memref<4800xf32, #tpu.memory_space<hbm>>) target_semaphore(%run_scoped3A : memref<!tpu.dma_semaphore, #tpu.memory_space<semaphore_mem>>)
      %dma_wait3A = arith.constant 0 : i32
      %dma_wait3A_16 = tpu.memref_slice %arg6[%add3A, %dma_wait3A] : memref<32x4800xf32, #tpu.memory_space<hbm>> -> memref<1x4800xf32, #tpu.memory_space<hbm>>
      %dma_wait3A_17 = tpu.memref_squeeze %dma_wait3A_16 : memref<1x4800xf32, #tpu.memory_space<hbm>> -> memref<4800xf32, #tpu.memory_space<hbm>>
      %dma_wait3A_18 = arith.constant 0 : i32
      %dma_wait3A_19 = tpu.memref_slice %arg6[%add3A, %dma_wait3A_18] : memref<32x4800xf32, #tpu.memory_space<hbm>> -> memref<1x4800xf32, #tpu.memory_space<hbm>>
      %dma_wait3A_20 = tpu.memref_squeeze %dma_wait3A_19 : memref<1x4800xf32, #tpu.memory_space<hbm>> -> memref<4800xf32, #tpu.memory_space<hbm>>
      tpu.wait_dma2 semaphore(%run_scoped3A : memref<!tpu.dma_semaphore, #tpu.memory_space<semaphore_mem>>) src(%arg13 : memref<4800xf32, #tpu.memory_space<vmem>>) dst(%dma_wait3A_20 : memref<4800xf32, #tpu.memory_space<hbm>>)
      tpu.yield
    }) : () -> ()
    return
  }
}

module attributes {stable_mosaic.version = 14 : i64} {
  func.func @_logsum_body(%arg0: memref<32x300xf32, #tpu.memory_space<vmem>>, %arg1: memref<1x1xf32, #tpu.memory_space<vmem>>) attributes {dimension_semantics = [], scalar_prefetch = 0 : i64, scratch_operands = 0 : i64, tpu.core_type = #tpu.core_type<tc>} {
    %get3A = arith.constant 0 : index
    %get3A_0 = arith.constant 0 : index
    %get3A_1 = vector.load %arg0[%get3A, %get3A_0] : memref<32x300xf32, #tpu.memory_space<vmem>>, vector<32x300xf32>
    %log3A = math.log %get3A_1 : vector<32x300xf32>
    %reduce_sum3A = vector.shape_cast %log3A : vector<32x300xf32> to vector<1x32x300xf32>
    %reduce_sum3A_2 = arith.constant dense<0.000000e+00> : vector<1xf32>
    %reduce_sum3A_3 = vector.multi_reduction <add>, %reduce_sum3A, %reduce_sum3A_2 [1, 2] : vector<1x32x300xf32> to vector<1xf32>
    %reduce_sum3A_4 = vector.shape_cast %reduce_sum3A_3 : vector<1xf32> to vector<1x1x1xf32>
    %reduce_sum3A_5 = vector.extract %reduce_sum3A_4[0, 0, 0] : f32 from vector<1x1x1xf32>
    %reshape3A = vector.broadcast %reduce_sum3A_5 : f32 to vector<1x1xf32>
    %swap3A = arith.constant 0 : index
    %swap3A_6 = arith.constant 0 : index
    %swap3A_7 = vector.load %arg1[%swap3A, %swap3A_6] : memref<1x1xf32, #tpu.memory_space<vmem>>, vector<1x1xf32>
    tpu.vector_store %arg1[%swap3A, %swap3A_6], %reshape3A {strides = array<i32>} : memref<1x1xf32, #tpu.memory_space<vmem>>, vector<1x1xf32>,
    return
  }
}

</mosaic_0001>

<sc_bundles>
// kernel: kernel.4.cloned.1.call-start
scs
__scs_entry_jumppad:
0x0: {  	(pc) =	sbr.rel $0x88, $3  }
0x1: {  	(tag) =	ssettag $0x0;
	lr =	simm.s32 $0x1  }
0x2: {  	[smem:$0x3F9D] =	sst lr;
	_ =	strace $0xD0000000  }
0x3: {  	_ = 	snop  }
0x4: {  	_ = 	snop  }
0x5: {  	_ = 	snop  }
0x6: {  	_ = 	snop  }
0x7: {  	_ = 	snop  }
__scs_overlays_trampoline_lowered:
0x8: {  	[smem:$0x3FAC] =	sst s0  }
0x9: {  	[smem:$0x3FAD] =	sst s1  }
0xa: {  	[smem:$0x3FAE] =	sst s2  }
0xb: {  	[smem:$0x3FAF] =	sst s3  }
0xc: {  	[smem:$0x3FB0] =	sst s4  }
0xd: {  	[smem:$0x3FB1] =	sst s5  }
0xe: {  	[smem:$0x3FB2] =	sst s6  }
0xf: {  	[smem:$0x3FB3] =	sst s7  }
0x10: {  	[smem:$0x3FB4] =	sst s8  }
0x11: {  	[smem:$0x3FB5] =	sst s9;
	s0 =	simm.s32 @!p0 $0x0  }
0x12: {  	s1 =	sld [smem:$0x3F9B];
	s0 =	simm.s32 @p0 $0x1  }
0x13: {  	[smem:$0x3FB6] =	sst s0;
	s0 =	simm.s32 @!p1 $0x0  }
0x14: {  	s2 =	sld [smem:$0x3F9A];
	s0 =	simm.s32 @p1 $0x1  }
0x15: {  	[smem:$0x3FB7] =	sst s0;
	s0 =	simm.s32 @!p2 $0x0  }
0x16: {  	s3 =	sld [smem:$0x3FDB];
	s0 =	simm.s32 @p2 $0x1  }
0x17: {  	s4 =	simm.s32 $0x1BF5;
	[smem:$0x3FB9] =	sst s0  }
0x18: {  	s0 =	sld [smem:$0x3F9C];
	_ =	swait.ge [sflag:s4], $0x0  }
0x19: {  	s7 =	sld [smem:$0x3F9D]  }
0x1a: {  	s8 =	sadd.s32 $0xFFFFE003, lr  }
0x1b: {  	s9 =	sadd.s32 $0xFFFFFEF7, lr;
	s5 =	simm.s32 $0xFFFFFFFF;
	p2 =	slt.u32 s8, $0xFFFFF086  }
0x1c: {  	p1 =	slt.u32 s9, $0xF7A;
	s5 =	simm.s32 @!p2 $0x0  }
0x1d: {  	s5 =	simm.s32 @p1 $0x1;
	p0 =	seq.s32 s7, s2  }
0x1e: {  	s7 =	smul.u32 @!p0 $0xF7A, s2;
	p2 =	seq.s32 @!p0 s5, $0x0  }
0x1f: {  	s9 =	smul.u32 $0xF7A, s1;
	s8 =	simm.s32 @!p0 $0x1BF5;
	p2 =	por !p2, p0  }
0x20: {  	[sflag:s8] =	ssyncset.s32 @!p0 $0xFFFFF086;
	s6 =	sadd.s32 @!p0 s3, s7;
	s7 =	simm.s32 @!p0 $0x108  }
0x21: {  	s3 =	sadd.s32 s3, s9;
	s6 =	sadd.s32 @!p0 $0x88, s6;
	s7 =	simm.s32 @p2 $0x1082  }
0x22: {  	[simem:s7], [sflag:s8] =	dma.local @!p0 [hbm:s6], $0xF7A  }
0x23: {  	s9 =	sor.u32 $0xD0000000, s2;
	s6 =	simm.s32 $0x108;
	_ =	swait.ge @!p0 [sflag:s8], $0x0  }
0x24: {  	s3 =	sadd.s32 $0x88, s3;
	s6 =	simm.s32 @!p1 $0x1082;
	[sflag:s4] =	ssyncset.s32 $0xFFFFF086  }
0x25: {  	[simem:s6], [sflag:s4] =	dma.local [hbm:s3], $0xF7A  }
0x26: {  	[smem:$0x3F9D] =	sst s1;
	(tag) =	ssettag s2;
	_ =	strace s9  }
0x27: {  	s1 =	sld [smem:$0x3FAD]  }
0x28: {  	s2 =	sld [smem:$0x3FAE]  }
0x29: {  	s4 =	sld [smem:$0x3FB0]  }
0x2a: {  	p0 =	seq.s32 s5, $0x0;
	s5 =	sld [smem:$0x3FB1]  }
0x2b: {  	s6 =	sld [smem:$0x3FB2]  }
0x2c: {  	s7 =	sld [smem:$0x3FB3]  }
0x2d: {  	s3 =	simm.s32 $0x108;
	s8 =	sld [smem:$0x3FB4]  }
0x2e: {  	s3 =	simm.s32 @!p0 $0x1082;
	s9 =	sld [smem:$0x3FB5]  }
0x2f: {  	lr =	sadd.s32 s0, s3;
	s0 =	sld [smem:$0x3FAC]  }
0x30: {  	s3 =	sld [smem:$0x3FAF]  }
0x31: {  	[smem:$0x3FB8] =	sst s10  }
0x32: {  	s10 =	sld [smem:$0x3FB6];
	_ =	sdelay $0x3  }
0x33: {  	p0 =	seq.s32 s10, $0x1;
	s10 =	sld [smem:$0x3FB8];
	_ =	sdelay $0x3  }
0x34: {  	[smem:$0x3FB8] =	sst s10  }
0x35: {  	s10 =	sld [smem:$0x3FB7];
	_ =	sdelay $0x3  }
0x36: {  	p1 =	seq.s32 s10, $0x1;
	s10 =	sld [smem:$0x3FB8];
	_ =	sdelay $0x3  }
0x37: {  	[smem:$0x3FB8] =	sst s10  }
0x38: {  	s10 =	sld [smem:$0x3FB9]  }
0x39: {  	_ = 	snop;
	(pc) =	sbr.ind lr, $3  }
0x3a: {  	_ = 	snop  }
0x3b: {  	_ = 	snop  }
0x3c: {  	p2 =	seq.s32 s10, $0x1;
	s10 =	sld [smem:$0x3FB8]  }
0x3d: {  	_ =	shalt  }
0x3e: {  	_ =	shalt  }
0x3f: {  	_ =	shalt  }
0x40: {  	_ =	shalt  }
0x41: {  	_ =	shalt  }
0x42: {  	_ =	shalt  }
0x43: {  	_ =	shalt  }
0x44: {  	_ =	shalt  }
0x45: {  	_ =	shalt  }
0x46: {  	_ =	shalt  }
0x47: {  	_ =	shalt  }
0x48: {  	_ =	shalt  }
0x49: {  	_ =	shalt  }
0x4a: {  	_ =	shalt  }
0x4b: {  	_ =	shalt  }
0x4c: {  	_ =	shalt  }
0x4d: {  	_ =	shalt  }
0x4e: {  	_ =	shalt  }
0x4f: {  	_ =	shalt  }
0x50: {  	_ =	shalt  }
0x51: {  	_ =	shalt  }
0x52: {  	_ =	shalt  }
0x53: {  	_ =	shalt  }
0x54: {  	_ =	shalt  }
0x55: {  	_ =	shalt  }
0x56: {  	_ =	shalt  }
0x57: {  	_ =	shalt  }
0x58: {  	_ =	shalt  }
0x59: {  	_ =	shalt  }
0x5a: {  	_ =	shalt  }
0x5b: {  	_ =	shalt  }
0x5c: {  	_ =	shalt  }
0x5d: {  	_ =	shalt  }
0x5e: {  	_ =	shalt  }
0x5f: {  	_ =	shalt  }
0x60: {  	_ =	shalt  }
0x61: {  	_ =	shalt  }
0x62: {  	_ =	shalt  }
0x63: {  	_ =	shalt  }
0x64: {  	_ =	shalt  }
0x65: {  	_ =	shalt  }
0x66: {  	_ =	shalt  }
0x67: {  	_ =	shalt  }
0x68: {  	_ =	shalt  }
0x69: {  	_ =	shalt  }
0x6a: {  	_ =	shalt  }
0x6b: {  	_ =	shalt  }
0x6c: {  	_ =	shalt  }
0x6d: {  	_ =	shalt  }
0x6e: {  	_ =	shalt  }
0x6f: {  	_ =	shalt  }
0x70: {  	_ =	shalt  }
0x71: {  	_ =	shalt  }
0x72: {  	_ =	shalt  }
0x73: {  	_ =	shalt  }
0x74: {  	_ =	shalt  }
0x75: {  	_ =	shalt  }
0x76: {  	_ =	shalt  }
0x77: {  	_ =	shalt  }
0x78: {  	_ =	shalt  }
0x79: {  	_ =	shalt  }
0x7a: {  	_ =	shalt  }
0x7b: {  	_ =	shalt  }
0x7c: {  	_ =	shalt  }
0x7d: {  	_ =	shalt  }
0x7e: {  	_ =	shalt  }
0x7f: {  	_ =	shalt  }
0x80: {  	_ =	shalt  }
0x81: {  	_ =	shalt  }
0x82: {  	_ =	shalt  }
0x83: {  	_ =	shalt  }
0x84: {  	_ =	shalt  }
0x85: {  	_ =	shalt  }
0x86: {  	_ =	shalt  }
0x87: {  	_ =	shalt  }
.Lfunc_end0:
.L_simem_size_0:
called_computation_lowered:
.L_overlay_start_0:
0x88: {  	s2 =	sld [smem:$0x3FD9]  }
0x89: {  	s3 =	sld [smem:$0x3FFE];
	_ =	sdelay $0x1  }
0x8a: {  	s1 =	srdreg.scid  }
0x8b: {  	s0 =	sand.u32 $0x1, s1  }
0x8c: {  	s17 =	sshll.u32 s0, $0xA;
	s2 =	sadd.s32 s3, s2  }
0x8d: {  	s2 =	sadd.s32 s2, s17  }
0x8e: {  	[smem:$0x3FC4] =	sst s2  }
0x8f: {  	_ = 	snop  }
0x90: {  	s2 =	sld [smem:$0x3FC7]  }
0x91: {  	s18 =	sld [smem:$0x3FC6];
	(tm) =	ssettm $0x1  }
0x92: {  	s4 =	sld [smem:$0x3FFB];
	_ =	sdelay $0x3  }
0x93: {  	_ =	strace s4  }
0x94: {  	s4 =	sld [smem:$0x3FFC];
	_ =	sdelay $0x3  }
0x95: {  	_ =	strace s4  }
0x96: {  	s4 =	sld [smem:$0x3FFD];
	_ =	sdelay $0x3  }
0x97: {  	_ =	strace s4  }
0x98: {  	_ =	strace $0x8FFFFFFF  }
0x99: {  	s19 =	sld [smem:$0x3FDB];
	_ =	sdelay $0x1  }
0x9a: {  	s5 =	simm.s32 $_scs_section_size  }
0x9b: {  	s6 =	simm.s32 $_size__tile_overlayer_lowered;
	s7 =	simm.s32 $_tile_overlayer_lowered  }
0x9c: {  	s22 =	simm.s32 $0x1BFF;
	s21 =	sshll.u32 s7, $0x1;
	s4 =	sadd.s32 s5, s19  }
0x9d: {  	s8 =	simm.s32 $0x0;
	s20 =	sshll.u32 s6, $0x1;
	s6 =	sadd.s32 s21, s4  }
0x9e: {  	[timem:s8], [sflag:s22] =	dma.local [hbm:s6], s20  }
0x9f: {  	_ =	swait.ge [sflag:s22], s20  }
0xa0: {  	s5 =	ssub.s32 $0x0, s20;
	[sflag:s22] =	ssyncset.done $0x0  }
0xa1: {  	[sflag:s22] =	ssyncadd.s32 s5;
	_ =	sdelay $0x1  }
0xa2: {  	s23 =	simm.s32 $0x1B8B  }
0xa3: {  	_ =	swait.ge [sflag:s23], $0x1  }
0xa4: {  	[sflag:s23] =	ssyncset.done $0x0  }
0xa5: {  	s25 =	simm.s32 $0x1B8E;
	s24 =	sld [smem:$0x3FFE];
	[sflag:s23] =	ssyncadd.s32 $0xFFFFFFFF  }
0xa6: {  	s26 =	simm.s32 $execute0_lowered;
	[smem:$0x3FD2] =	sst s25  }
0xa7: {  	s6 =	sshll.u32 s26, $0x1;
	_ =	strace $0x80000046;
	[dreg:$0x1] =	wrdreg $0xFFFFFFFF  }
0xa8: {  	s28 =	simm.s32 $_size_execute0_lowered;
	s4 =	sadd.s32 s4, s6;
	[dreg:$0x0] =	wrdreg $0x0  }
0xa9: {  	s6 =	sshll.u32 s28, $0x1;
	[dreg:$0x2] =	wrdreg s4  }
0xaa: {  	[dreg:$0x3] =	wrdreg s6  }
0xab: {  	[dreg:$0x4] =	wrdreg $0xC0  }
0xac: {  	_ =	task [dreg:s8], $0x5FFFF  }
0xad: {  	[dreg:$0x1] =	wrdreg $0xFFFFFFFF  }
0xae: {  	[dreg:$0x0] =	wrdreg $0x60  }
0xaf: {  	[dreg:$0x2] =	wrdreg s24  }
0xb0: {  	[dreg:$0x3] =	wrdreg s2  }
0xb1: {  	[dreg:$0x4] =	wrdreg s18  }
0xb2: {  	[dreg:$0x5] =	wrdreg $0x9  }
0xb3: {  	_ =	task.clear_ibuf [dreg:s8], $0x6FFFF;
	_ =	strace $0x90000046  }
0xb4: {  	s29 =	simm.s32 $0x9;
	_ =	strace $0x80000048  }
0xb5: {  	_ =	swait.ge [sflag:s29], $0x1  }
0xb6: {  	[sflag:s29] =	ssyncadd.s32 $0xFFFFFFFF  }
0xb7: {  	_ =	strace $0x90000048  }
0xb8: {  	_ =	sfence  }
0xb9: {  	s30 =	sld [smem:$0x0];
	_ =	sdelay $0x2  }
0xba: {  	s31 =	sshll.u32 s1, $0xD;
	s1 =	sshrl.u32 s1, $0x2  }
0xbb: {  	s3 =	sand.u32 $0x4000, s31;
	s1 =	sadd.s32 s1, s30  }
0xbc: {  	s0 =	sor.u32 s3, s0;
	s1 =	sshll.u32 s1, $0x11  }
0xbd: {  	s0 =	sor.u32 s1, s0  }
0xbe: {  	s0 =	sadd.s32 $0x8F2B, s0  }
0xbf: {  	[sflag:s0] =	ssyncadd.remote.s32 $0x1  }
0xc0: {  	_ =	sfence.sel $0xFFFF  }
0xc1: {  	[dreg:$0x0] =	wrdreg $0xFFFFFFFF;
	(pc) =	sbr.abs _section_cstart, $3  }
0xc2: {  	[dreg:$0x1] =	wrdreg $0xFFFFFFFF  }
0xc3: {  	_ =	task.clear_ibuf [dreg:s8], $0x2FFFF;
	_ =	strace $0x9FFFFFFF  }
0xc4: {  	(tm) =	ssettm $0x7FFFFFFF  }
0xc5: {  	_ =	shalt  }
tec
execute0_lowered:
.L_overlay_start_1:
0x0: {  	(tag) =	ssettag $0x1  }
0x1: {  	s7 =	rddreg [dreg:$0x0]  }
0x2: {  	s2 =	rddreg [dreg:$0x1]  }
0x3: {  	s3 =	rddreg [dreg:$0x2];
	s4 =	srdreg.scid  }
0x4: {  	s1 =	stileid.u32;
	s0 =	rddreg [dreg:$0x3];
	s12 =	simm.s32 $0x10000  }
0x5: {  	s13 =	simm.s32 $0x80;
	s14 =	simm.s32 $0x400;
	s15 =	simm.s32 $0x11000  }
0x6: {  	s16 =	simm.s32 $0x11200;
	s17 =	simm.s32 $0x10800;
	s18 =	simm.s32 $0x11400  }
0x7: {  	s19 =	simm.s32 $0x0;
	s6 =	sand.u32 $0x1, s4;
	s5 =	sshll.u32 s1, $0x1  }
0x8: {  	s4 =	simm.s32 $0x0;
	s29 =	sshrl.u32 s1, $0x2;
	s8 =	sor.u32 s6, s5  }
0x9: {  	[smem:$0x7FF] =	sst s4;
	s9 =	smul.u32 $0x9800, s29;
	s30 =	sshll.u32 s8, $0x7  }
0xa: {  	s5 =	sadd.s32 $0x1400, s7;
	s31 =	ssub.s32 $0x2, s6;
	s10 =	sand.u32 $0x380, s30  }
0xb: {  	s6 =	sadd.s32 $0x400, s7;
	s11 =	sshrl.u32 s31, $0x1;
	s9 =	sor.u32 s9, s10  }
0xc: {  	_ =	strace $0x80000047;
	s10 =	ssub.s32 s31, s11;
	s9 =	sshrl.u32 s9, $0x3  }
0xd: {  	s11 =	simm.s32 $0x8000;
	s9 =	sadd.s32 s9, s7;
	s7 =	smul.u32 $0x26000, s8  }
0xe: {  	v0 =	vimm.f32 $0.0e+00;
	s8 =	sadd.s32 $0x99400, s9;
	s9 =	smax.u32 s10, $0x1;
	s10 =	simm.s32 $0x1  }
.LBB2_1:
0xf: {  	[tilespmem:s4], [sflag:$0x1] =	stream.linear.gather [hbm4b:s6+s4], $0x8000, $0x38;
	[tilespmem:$0x12700] =	vst v63  }
0x10: {  	_ =	swait.ge [sflag:s10], $0x8000  }
0x11: {  	[sflag:s10] =	ssyncset.done $0x0  }
0x12: {  	[sflag:s10] =	ssyncadd.s32 $0xFFFF8000  }
0x13: {  	[tilespmem:s11], [sflag:$0x1] =	stream.linear.gather [hbm4b:s2+s4], $0x8000, $0x38;
	[tilespmem:$0x12700] =	vst v63  }
0x14: {  	_ =	swait.ge [sflag:s10], $0x8000  }
0x15: {  	[sflag:s10] =	ssyncset.done $0x0  }
0x16: {  	[sflag:s10] =	ssyncadd.s32 $0xFFFF8000  }
0x17: {  	[tilespmem:s12], [sflag:$0x1] =	stream.linear.gather [hbm4b:s3+s4], $0x800, $0x38;
	[tilespmem:$0x12700] =	vst v63  }
0x18: {  	_ =	swait.ge [sflag:s10], $0x800  }
0x19: {  	[sflag:s10] =	ssyncset.done $0x0  }
0x1a: {  	s20 =	simm.s32 $0x40;
	s21 =	simm.s32 $0x0;
	[sflag:s10] =	ssyncadd.s32 $0xFFFFF800  }
.LBB2_2:
0x1b: {  	p0 =	sne.s32 s20, $0x1FC0;
	[tilespmem:s21+$0x10800] =	vst v0;
	s21 =	smov.u32 s20;
	s20 =	sadd.s32 $0x40, s20  }
.Ltmp0:
0x1c: {  	(pc) =	sbr.rel @p0 .LBB2_2-.Ltmp0, $2  }
0x1d: {  	_ =	sdelay $0x2  }
0x1e: {  	s21 =	sshra.s32 s21, $0x2  }
0x1f: {  	[tilespmem:s21+$0x10800] =	vst v0;
	s20 =	simm.s32 $0x0  }
.LBB2_4:
0x20: {  	s21 =	sshll.u32 s20, $0x9  }
0x21: {  	s22 =	sshll.u32 s20, $0x7;
	s21 =	sand.u32 $0x3F000, s21  }
0x22: {  	s22 =	sand.u32 $0x380, s22;
	s21 =	sadd.s32 s7, s21  }
0x23: {  	s21 =	sor.u32 s22, s21  }
0x24: {  	s21 =	sshrl.u32 s21, $0x3  }
0x25: {  	s21 =	sadd.s32 s5, s21  }
0x26: {  	[tilespmem:s15], [sflag:$0x1] =	stream.strided.gather [hbm4b:s21+s13], $0x200, s14, s13, $0x38;
	[tilespmem:$0x12700] =	vst v63  }
0x27: {  	_ =	swait.ge [sflag:s10], $0x200  }
0x28: {  	[sflag:s10] =	ssyncset.done $0x0  }
0x29: {  	s21 =	simm.s32 $0x0;
	[sflag:s10] =	ssyncadd.s32 $0xFFFFFE00  }
0x2a: {  	v1 =	vld [tilespmem:s21+$0x11000];
	_ =	sdelay $0x4  }
0x2b: {  	v1 =	vmul.f32 $1.442695020e+00, v1  }
0x2c: {  	s22 =	simm.s32 $0x10  }
0x2d: {  	(erf) = vpow2.f32 v1;
	v1 =	vld [tilespmem:s22+$0x11000];
	_ =	sdelay $0x4  }
0x2e: {  	s23 =	simm.s32 $0x20;
	v2 =	vmul.f32 $1.442695020e+00, v1  }
0x2f: {  	v1 =	vld [tilespmem:s23+$0x11000]  }
0x30: {  	(erf) = vpow2.f32 v2;
	_ =	sdelay $0x2  }
0x31: {  	s24 =	simm.s32 $0xC0;
	v2 =	vpop (erf)  }
.LBB2_5:
0x32: {  	s25 =	sshra.s32 s24, $0x2;
	p0 =	sne.s32 s24, $0x7C0;
	s24 =	sadd.s32 $0x40, s24;
	v3 =	vmul.f32 $1.442695020e+00, v1;
	[tilespmem:s21+$0x11200] =	vst v2  }
.Ltmp1:
0x33: {  	s21 =	smov.u32 s22;
	s22 =	smov.u32 s23;
	v1 =	vld [tilespmem:s25+$0x11000];
	(pc) =	sbr.rel @p0 .LBB2_5-.Ltmp1, $2  }
0x34: {  	s23 =	smov.u32 s25;
	(erf) = vpow2.f32 v3;
	_ =	sdelay $0x2  }
0x35: {  	v2 =	vpop (erf)  }
0x36: {  	v1 =	vmul.f32 $1.442695020e+00, v1;
	_ =	sdelay $0x1  }
0x37: {  	(erf) = vpow2.f32 v1;
	_ =	sdelay $0x7  }
0x38: {  	[tilespmem:s21+$0x11200] =	vst v2;
	v1 =	vpop (erf)  }
0x39: {  	[tilespmem:s22+$0x11200] =	vst v1;
	v1 =	vpop (erf)  }
0x3a: {  	s21 =	simm.s32 $0x0;
	[tilespmem:s23+$0x11200] =	vst v1  }
.LBB2_7:
0x3b: {  	s22 =	sshra.s32 s21, $0x2  }
0x3c: {  	v1 =	vld [tilespmem:s22+$0x0];
	_ =	sdelay $0x4  }
0x3d: {  	v2 =	vand.u32 $0x7FF, v1;
	_ =	sdelay $0x1  }
0x3e: {  	v3 =	vshra.s32 v1, $0x16;
	_ =	sdelay $0x1  }
0x3f: {  	v4 =	vld [tilespmem:s22+$0x8000]  }
0x40: {  	v2 =	vld.idx.msk [tilespmem:v2+s12+$0x0], $0xffff;
	_ =	sdelay $0x1  }
0x41: {  	v3 =	vld.idx.msk [tilespmem:v3+s16+$0x0], $0xffff  }
0x42: {  	v1 =	vshrl.u32 v1, $0xB  }
0x43: {  	p0 =	sne.s32 s21, $0x1FFC0;
	v1 =	vand.u32 $0x7FF, v1  }
.Ltmp2:
0x44: {  	v2 =	vmul.f32 v2, v4;
	(pc) =	sbr.rel @p0 .LBB2_7-.Ltmp2, $3  }
0x45: {  	_ = 	snop  }
0x46: {  	v2 =	vmul.f32 v3, v2;
	_ =	sdelay $0x1  }
0x47: {  	s21 =	sadd.s32 $0x40, s21;
	[tilespmem:v1+s17+$0x0] =	vst.idx.add.f32.msk $0xffff, v2  }
0x48: {  	p0 =	por $0x1, $0x1  }
.Ltmp3:
0x49: {  	_ = 	snop;
	(pc) =	sbr.rel @!p0 .LBB2_10-.Ltmp3, $3  }
0x4a: {  	_ =	sdelay $0x1  }
0x4b: {  	s22 =	simm.s32 $0x0  }
0x4c: {  	v1 =	vimm.f32 $0.0e+00;
	s21 =	simm.s32 $0x40;
	v2 =	vld [tilespmem:s22+$0x10800]  }
.LBB2_9:
0x4d: {  	p0 =	sne.s32 s21, $0x1FC0  }
.Ltmp4:
0x4e: {  	_ = 	snop;
	(pc) =	sbr.rel @p0 .LBB2_9-.Ltmp4, $3  }
0x4f: {  	_ =	sdelay $0x1  }
0x50: {  	s22 =	sshra.s32 s21, $0x2;
	s21 =	sadd.s32 $0x40, s21;
	v1 =	vadd.f32 v2, v1  }
0x51: {  	v2 =	vld [tilespmem:s22+$0x10800]  }
.LBB2_10:
0x52: {  	_ =	sdelay $0x3  }
0x53: {  	v1 =	vadd.f32 v2, v1;
	_ =	sdelay $0x1  }
0x54: {  	(xrf2) =	vadd.scan.msk.f32 $0xffff, v1;
	_ =	sdelay $0x9  }
0x55: {  	v1, _, _ =	vpop (xrf2)  }
0x56: {  	v1 =	vbroadcast v1, $0xF;
	_ =	sdelay $0x1  }
0x57: {  	(erf) = vrcp.f32 v1;
	_ =	sdelay $0x4  }
0x58: {  	s21 =	sshll.u32 s20, $0x4  }
0x59: {  	s21 =	sand.u32 $0x3FFFFFF0, s21  }
0x5a: {  	[tilespmem:s21+$0x11400] =	vst v1;
	s21 =	simm.s32 $0x0  }
0x5b: {  	v2 =	vld [tilespmem:s21+$0x10800]  }
0x5c: {  	s22 =	simm.s32 $0x40;
	s23 =	simm.s32 $0x80;
	[tilespmem:s21+$0x10800] =	vst v0;
	v1 =	vpop (erf)  }
.LBB2_11:
0x5d: {  	p0 =	sne.s32 s23, $0x1FC0  }
.Ltmp5:
0x5e: {  	_ = 	snop;
	(pc) =	sbr.rel @p0 .LBB2_11-.Ltmp5, $4  }
0x5f: {  	_ = 	snop  }
0x60: {  	s25 =	sshra.s32 s22, $0x2;
	v3 =	vmul.f32 v2, v1  }
0x61: {  	s24 =	smov.u32 s23;
	v2 =	vld [tilespmem:s25+$0x10800];
	[tilespmem:s25+$0x10800] =	vst v0  }
0x62: {  	s23 =	sadd.s32 $0x40, s23;
	s22 =	smov.u32 s24;
	[tilespmem:s21+$0x10000] =	vst v3;
	s21 =	smov.u32 s25  }
0x63: {  	s22 =	sshra.s32 s22, $0x2  }
0x64: {  	v3 =	vld [tilespmem:s22+$0x10800]  }
0x65: {  	s20 =	sadd.s32 $0x1, s20  }
0x66: {  	p0 =	sne.s32 s20, $0x12C  }
.Ltmp6:
0x67: {  	_ = 	snop;
	(pc) =	sbr.rel @p0 .LBB2_4-.Ltmp6, $4  }
0x68: {  	v2 =	vmul.f32 v2, v1  }
0x69: {  	[tilespmem:s22+$0x10800] =	vst v0;
	v1 =	vmul.f32 v3, v1  }
0x6a: {  	[tilespmem:s21+$0x10000] =	vst v2  }
0x6b: {  	[tilespmem:s22+$0x10000] =	vst v1  }
0x6c: {  	s19 =	sadd.s32 $0x1, s19  }
0x6d: {  	p0 =	sne.s32 s19, s9  }
.Ltmp7:
0x6e: {  	_ = 	snop;
	(pc) =	sbr.rel @p0 .LBB2_1-.Ltmp7, $4  }
0x6f: {  	[hbm4b:s8+s13] =	stream.strided.scatter [tilespmem:s18], [sflag:$0x1], $0x1300, s14, s13, $0x38;
	[tilespmem:$0x12700] =	vst v63  }
0x70: {  	_ =	swait.ge [sflag:s10], $0x1300  }
0x71: {  	[sflag:s10] =	ssyncset.done $0x0  }
0x72: {  	[sflag:s10] =	ssyncadd.s32 $0xFFFFED00  }
0x73: {  	_ =	sfence.sel $0x180000  }
0x74: {  	[bflag:$0x0] =	sbarrier.arrive $0xFFFF  }
0x75: {  	p0 =	sne.s32 s1, $0x0;
	_ =	strace $0x90000047  }
0x76: {  	s0 =	sadd.s32 @!p0 $0x100000, s0;
	[bflag:$0x2] =	sbarrier.arrive $0xFFFF  }
0x77: {  	[sflag:s0] =	ssyncadd.tile.s32 @!p0 $0x1;
	_ =	shalt  }
.Lfunc_end2:
_tile_overlayer_lowered:
.L_overlay_start_2:
0x78: {  	(tag) =	ssettag $0x2  }
0x79: {  	s0 =	rddreg [dreg:$0x0];
	s2 =	stileid.u32  }
0x7a: {  	s1 =	rddreg [dreg:$0x1];
	p0 =	sne.s32 s2, $0x0  }
0x7b: {  	s3 =	rddreg [dreg:$0x2];
	[bflag:$0x3] =	sbarrier.arrive $0xFFFF;
	s2 =	simm.s32 @!p0 $0x1C01  }
0x7c: {  	[timem:s3], [sflag:s2] =	dma.local @!p0 [hbm:s0], s1  }
0x7d: {  	s0 =	simm.s32 @!p0 $0x1  }
0x7e: {  	_ =	swait.ge @!p0 [sflag:s0], s1  }
0x7f: {  	s1 =	ssub.s32 @!p0 $0x0, s1;
	[sflag:s0] =	ssyncset.done @!p0 $0x0  }
0x80: {  	[sflag:s0] =	ssyncadd.s32 @!p0 s1  }
0x81: {  	[bflag:$0x3] =	sbarrier.arrive $0xFFFF  }
0x82: {  	_ =	shalt  }

</sc_bundles>
